<compile_context>
chip_gen: v7x
topology: tpu7x:2x2x1
jax: 0.10.2.dev20260603
libtpu: 0.0.44.dev20260713+nightly
codegen_flags: <defaults>
</compile_context>

<pallas_src>
import jax
import jax.numpy as jnp
from jax.experimental import pallas as pl
from jax.experimental.pallas import tpu as pltpu

_B, _C, _H, _W = 64, 3, 512, 512
_P = 16
_DIM = 96
_DP = 128
_G = _H // _P
_N = _G * _G
_K = _C * _P * _P
_KEEP = _N // 2
_PW = 640


def _score_kernel(p_ref, w1_ref, b1_ref, w2_ref, b2_ref, s_ref):
    p = p_ref[0]
    h = jax.lax.dot_general(p, w1_ref[...], (((1,), (0,)), ((), ())),
                            preferred_element_type=jnp.float32)
    h = h + b1_ref[...]
    hb = h.astype(jnp.bfloat16).astype(jnp.float32)
    prod = hb * w2_ref[...]
    s = prod
    c = jnp.zeros_like(prod)
    width = _DP // 2
    while width >= 1:
        a_s, b_s = s[:, :width], s[:, width:2 * width]
        a_c, b_c = c[:, :width], c[:, width:2 * width]
        t = a_s + b_s
        bb = t - a_s
        err = (a_s - (t - bb)) + (b_s - bb)
        s = t
        c = (a_c + b_c) + err
        width //= 2
    tot = (s + c) + b2_ref[...]
    i2 = jax.lax.broadcasted_iota(jnp.int32, (_N, _N), 0)
    j2 = jax.lax.broadcasted_iota(jnp.int32, (_N, _N), 1)
    eye = (i2 == j2).astype(jnp.float32)
    row = jax.lax.dot_general(tot, eye, (((0,), (0,)), ((), ())),
                              preferred_element_type=jnp.float32,
                              precision=jax.lax.Precision.HIGHEST)
    s_ref[0] = row


def _rank_kernel(s_ref, o_ref):
    sr = s_ref[0]
    row = jnp.exp(sr - jnp.max(sr, axis=1, keepdims=True))
    i2 = jax.lax.broadcasted_iota(jnp.int32, (_N, _N), 0)
    j2 = jax.lax.broadcasted_iota(jnp.int32, (_N, _N), 1)
    eye = (i2 == j2).astype(jnp.float32)
    col = jax.lax.dot_general(eye, row, (((1,), (1,)), ((), ())),
                              preferred_element_type=jnp.float32,
                              precision=jax.lax.Precision.HIGHEST)
    vj = row
    vi = col
    above = (vj > vi) | ((vj == vi) & (j2 < i2))
    rank = jnp.sum(above.astype(jnp.float32), axis=1, keepdims=True)
    p2 = jax.lax.broadcasted_iota(jnp.int32, (_N, _PW), 1).astype(jnp.float32)
    hit = rank == (p2 - 1.0)
    idx1 = i2[:, :_PW].astype(jnp.float32) + 1.0
    out = jnp.sum(jnp.where(hit, idx1, 0.0), axis=0, keepdims=True)
    o_ref[0] = out.astype(jnp.int32)


def kernel(x, W1, b1, W2, b2):
    bf16, f32 = jnp.bfloat16, jnp.float32
    patches = x.astype(bf16).reshape(_B, _C, _G, _P, _G, _P)
    patches = patches.transpose(0, 2, 4, 1, 3, 5).reshape(_B, _N, _K)
    w1m = W1.astype(bf16).reshape(_DIM, _K).T
    w1m = jnp.pad(w1m, ((0, 0), (0, _DP - _DIM)))
    b1r = jnp.pad(b1, (0, _DP - _DIM)).reshape(1, _DP)
    w2r = W2.reshape(1, _DIM).astype(bf16).astype(f32)
    w2r = jnp.pad(w2r, ((0, 0), (0, _DP - _DIM)))
    b2r = b2.reshape(1, 1)

    s = pl.pallas_call(
        _score_kernel,
        grid=(_B,),
        in_specs=[
            pl.BlockSpec((1, _N, _K), lambda b: (b, 0, 0)),
            pl.BlockSpec((_K, _DP), lambda b: (0, 0)),
            pl.BlockSpec((1, _DP), lambda b: (0, 0)),
            pl.BlockSpec((1, _DP), lambda b: (0, 0)),
            pl.BlockSpec((1, 1), lambda b: (0, 0)),
        ],
        out_specs=pl.BlockSpec((1, 1, _N), lambda b: (b, 0, 0)),
        out_shape=jax.ShapeDtypeStruct((_B, 1, _N), jnp.float32),
    )(patches, w1m, b1r, w2r, b2r)

    idx = pl.pallas_call(
        _rank_kernel,
        grid=(_B,),
        in_specs=[pl.BlockSpec((1, 1, _N), lambda b: (b, 0, 0))],
        out_specs=pl.BlockSpec((1, 1, _PW), lambda b: (b, 0, 0)),
        out_shape=jax.ShapeDtypeStruct((_B, 1, _PW), jnp.int32),
    )(s)

    return idx[:, 0, : _KEEP + 1].astype(jnp.int64)

# --- scband reference (transcript-rebuilt; emitter-appended) ---
"""Pipeline reference for scband-base-reducer-21311627722993 (READ-ONLY COPY).

The authoritative reference and input builder live on the scoring server;
editing this copy changes nothing except your own understanding.
"""

import jax, jax.numpy as jnp
import numpy as np

B, C, H, W = 64, 3, 512, 512
P = 16
DIM = 96
KEEP = 0.5


def setup_inputs(seed: int = 0) -> dict:
    key = jax.random.key(seed)
    k1, k2, k3 = jax.random.split(key, 3)
    x = jax.random.normal(k1, (B, C, H, W), dtype=jnp.float32)
    fan1 = C * P * P
    W1 = jax.random.normal(k2, (DIM, C, P, P), dtype=jnp.float32) * float(1.0 / np.sqrt(fan1))
    b1 = jnp.zeros((DIM,), dtype=jnp.float32)
    W2 = jax.random.normal(k3, (1, DIM, 1, 1), dtype=jnp.float32) * float(1.0 / np.sqrt(DIM))
    b2 = jnp.zeros((1,), dtype=jnp.float32)
    return {"x": x, "W1": W1, "b1": b1, "W2": W2, "b2": b2}


def _encode(x, W1, b1, W2, b2):
    dn = ('NCHW', 'OIHW', 'NCHW')
    h = jax.lax.conv_general_dilated(x, W1, window_strides=(P, P), padding='VALID', dimension_numbers=dn)
    h = h + b1[None, :, None, None]
    h = jax.lax.conv_general_dilated(h, W2, window_strides=(1, 1), padding='VALID', dimension_numbers=dn)
    h = h + b2[None, :, None, None]
    b, c, hh, ww = h.shape
    return h.reshape(b, c, hh * ww)


def reference(x, W1, b1, W2, b2):
    s = _encode(x, W1, b1, W2, b2)              # [B, 1, hw]
    probs = jax.nn.softmax(s, axis=-1)          # softmax scores
    num2keep = int(KEEP * probs.shape[-1])
    _, keep_ind = jax.lax.top_k(probs, num2keep)  # [B, 1, k]
    keep_ind = keep_ind.astype(jnp.int32) + 1
    zeros = jnp.zeros((probs.shape[0], 1, 1), dtype=keep_ind.dtype)
    keep_ind = jnp.concatenate((zeros, keep_ind), axis=-1)  # [B, 1, k+1]
    keep_ind = jnp.squeeze(keep_ind, axis=1)    # [B, k+1]
    return keep_ind.astype(jnp.int64)

if __name__ == "__main__":
    import jax
    _d = setup_inputs()
    print(jax.jit(kernel)(*tuple(_d.values())))

</pallas_src>

<mosaic_0001>
module attributes {stable_mosaic.version = 14 : i64} {
  func.func @_rank_kernel(%arg0: i32, %arg1: memref<1x1x1024xf32, #tpu.memory_space<vmem>>, %arg2: memref<1x1x640xi32, #tpu.memory_space<vmem>>) attributes {dimension_semantics = [#tpu.dimension_semantics<arbitrary>], iteration_bounds = array<i64: 64>, scalar_prefetch = 0 : i64, scratch_operands = 0 : i64, tpu.core_type = #tpu.core_type<tc>, window_params = [{transform_indices = @transform_0, window_bounds = array<i64: 1, 1, 1024>}, {transform_indices = @transform_1, window_bounds = array<i64: 1, 1, 640>}]} {
    %get3A = arith.constant 0 : index
    %get3A_0 = arith.constant 0 : index
    %get3A_1 = arith.constant 0 : index
    %get3A_2 = vector.load %arg1[%get3A, %get3A_0, %get3A_1] : memref<1x1x1024xf32, #tpu.memory_space<vmem>>, vector<1x1x1024xf32>
    %get3A_3 = vector.shape_cast %get3A_2 : vector<1x1x1024xf32> to vector<1x1024xf32>
    %reduce_max3A = arith.constant dense<0xFF800000> : vector<1xf32>
    %reduce_max3A_4 = vector.multi_reduction <maximumf>, %get3A_3, %reduce_max3A [1] : vector<1x1024xf32> to vector<1xf32>
    %broadcast_in_dim3A = vector.shape_cast %reduce_max3A_4 : vector<1xf32> to vector<1x1xf32>
    %sub3A = vector.broadcast %broadcast_in_dim3A : vector<1x1xf32> to vector<1x1024xf32>
    %sub3A_5 = arith.subf %get3A_3, %sub3A : vector<1x1024xf32>
    %exp3A = math.exp %sub3A_5 : vector<1x1024xf32>
    %iota3A = tpu.iota {dimensions = array<i32: 0>} : vector<1024x1024xi32>
    %iota3A_6 = tpu.iota {dimensions = array<i32: 1>} : vector<1024x1024xi32>
    %eq3A = arith.cmpi eq, %iota3A, %iota3A_6 : vector<1024x1024xi32>
    %convert_element_type3A = arith.extui %eq3A : vector<1024x1024xi1> to vector<1024x1024xi32>
    %convert_element_type3A_7 = arith.sitofp %convert_element_type3A : vector<1024x1024xi32> to vector<1024x1024xf32>
    %dot_general3A = arith.constant dense<0.000000e+00> : vector<1024x1xf32>
    %dot_general3A_8 = tpu.matmul %convert_element_type3A_7, %exp3A, %dot_general3A {dimension_numbers = #tpu.dot_dimension_numbers<[1], [1], [0], [0], [0, 0, 1, 0], [], []>, precision = #tpu.contract_precision<fp32>, transpose_lhs_hint = false} : vector<1024x1024xf32>, vector<1x1024xf32>, vector<1024x1xf32> -> vector<1024x1xf32>
    %gt3A = vector.broadcast %exp3A : vector<1x1024xf32> to vector<1024x1024xf32>
    %gt3A_9 = vector.broadcast %dot_general3A_8 : vector<1024x1xf32> to vector<1024x1024xf32>
    %gt3A_10 = arith.cmpf ogt, %gt3A, %gt3A_9 : vector<1024x1024xf32>
    %eq3A_11 = vector.broadcast %exp3A : vector<1x1024xf32> to vector<1024x1024xf32>
    %eq3A_12 = vector.broadcast %dot_general3A_8 : vector<1024x1xf32> to vector<1024x1024xf32>
    %eq3A_13 = arith.cmpf oeq, %eq3A_11, %eq3A_12 : vector<1024x1024xf32>
    %lt3A = arith.cmpi slt, %iota3A_6, %iota3A : vector<1024x1024xi32>
    %and3A = arith.andi %eq3A_13, %lt3A : vector<1024x1024xi1>
    %or3A = arith.ori %gt3A_10, %and3A : vector<1024x1024xi1>
    %convert_element_type3A_14 = arith.extui %or3A : vector<1024x1024xi1> to vector<1024x1024xi32>
    %convert_element_type3A_15 = arith.sitofp %convert_element_type3A_14 : vector<1024x1024xi32> to vector<1024x1024xf32>
    %reduce_sum3A = arith.constant dense<0.000000e+00> : vector<1024xf32>
    %reduce_sum3A_16 = vector.multi_reduction <add>, %convert_element_type3A_15, %reduce_sum3A [1] : vector<1024x1024xf32> to vector<1024xf32>
    %broadcast_in_dim3A_17 = vector.shape_cast %reduce_sum3A_16 : vector<1024xf32> to vector<1024x1xf32>
    %iota3A_18 = tpu.iota {dimensions = array<i32: 1>} : vector<1024x640xi32>
    %convert_element_type3A_19 = arith.sitofp %iota3A_18 : vector<1024x640xi32> to vector<1024x640xf32>
    %sub3A_20 = arith.constant 1.000000e+00 : f32
    %sub3A_21 = vector.broadcast %sub3A_20 : f32 to vector<1024x640xf32>
    %sub3A_22 = arith.subf %convert_element_type3A_19, %sub3A_21 : vector<1024x640xf32>
    %eq3A_23 = vector.broadcast %broadcast_in_dim3A_17 : vector<1024x1xf32> to vector<1024x640xf32>
    %eq3A_24 = arith.cmpf oeq, %eq3A_23, %sub3A_22 : vector<1024x640xf32>
    %slice3A = vector.extract_strided_slice %iota3A {offsets = [0, 0], sizes = [1024, 640], strides = [1, 1]} : vector<1024x1024xi32> to vector<1024x640xi32>
    %convert_element_type3A_25 = arith.sitofp %slice3A : vector<1024x640xi32> to vector<1024x640xf32>
    %add3A = arith.constant 1.000000e+00 : f32
    %add3A_26 = vector.broadcast %add3A : f32 to vector<1024x640xf32>
    %add3A_27 = arith.addf %convert_element_type3A_25, %add3A_26 : vector<1024x640xf32>
    %jit3A = arith.constant 0.000000e+00 : f32
    %broadcast_in_dim3A_28 = vector.broadcast %jit3A : f32 to vector<1024x640xf32>
    %select_n3A = arith.select %eq3A_24, %add3A_27, %broadcast_in_dim3A_28 : vector<1024x640xi1>, vector<1024x640xf32>
    %reduce_sum3A_29 = arith.constant dense<0.000000e+00> : vector<640xf32>
    %reduce_sum3A_30 = vector.multi_reduction <add>, %select_n3A, %reduce_sum3A_29 [0] : vector<1024x640xf32> to vector<640xf32>
    %broadcast_in_dim3A_31 = vector.shape_cast %reduce_sum3A_30 : vector<640xf32> to vector<1x640xf32>
    %convert_element_type3A_32 = arith.fptosi %broadcast_in_dim3A_31 : vector<1x640xf32> to vector<1x640xi32>
    %swap3A = arith.constant 0 : index
    %swap3A_33 = arith.constant 0 : index
    %swap3A_34 = arith.constant 0 : index
    %swap3A_35 = vector.load %arg2[%swap3A, %swap3A_33, %swap3A_34] : memref<1x1x640xi32, #tpu.memory_space<vmem>>, vector<1x1x640xi32>
    %swap3A_36 = vector.shape_cast %swap3A_35 : vector<1x1x640xi32> to vector<1x640xi32>
    %swap3A_37 = vector.shape_cast %convert_element_type3A_32 : vector<1x640xi32> to vector<1x1x640xi32>
    tpu.vector_store %arg2[%swap3A, %swap3A_33, %swap3A_34], %swap3A_37 {strides = array<i32>} : memref<1x1x640xi32, #tpu.memory_space<vmem>>, vector<1x1x640xi32>,
    return
  }
  func.func @transform_0(%arg0: i32) -> (i32, i32, i32) {
    %c0_i32 = arith.constant 0 : i32
    %c0_i32_0 = arith.constant 0 : i32
    %c0_i32_1 = arith.constant 0 : i32
    return %arg0, %c0_i32, %c0_i32_0 : i32, i32, i32
  }
  func.func @transform_1(%arg0: i32) -> (i32, i32, i32) {
    %c0_i32 = arith.constant 0 : i32
    %c0_i32_0 = arith.constant 0 : i32
    %c0_i32_1 = arith.constant 0 : i32
    return %arg0, %c0_i32, %c0_i32_0 : i32, i32, i32
  }
}

module attributes {stable_mosaic.version = 14 : i64} {
  func.func @_score_kernel(%arg0: i32, %arg1: memref<1x1024x768xbf16, #tpu.memory_space<vmem>>, %arg2: memref<768x128xbf16, #tpu.memory_space<vmem>>, %arg3: memref<1x128xf32, #tpu.memory_space<vmem>>, %arg4: memref<1x128xf32, #tpu.memory_space<vmem>>, %arg5: memref<1x1xf32, #tpu.memory_space<vmem>>, %arg6: memref<1x1x1024xf32, #tpu.memory_space<vmem>>) attributes {dimension_semantics = [#tpu.dimension_semantics<arbitrary>], iteration_bounds = array<i64: 64>, scalar_prefetch = 0 : i64, scratch_operands = 0 : i64, tpu.core_type = #tpu.core_type<tc>, window_params = [{transform_indices = @transform_0, window_bounds = array<i64: 1, 1024, 768>}, {pipeline_mode = #tpu.pipeline_mode<synchronous>, transform_indices = @transform_1, window_bounds = array<i64: 768, 128>}, {pipeline_mode = #tpu.pipeline_mode<synchronous>, transform_indices = @transform_2, window_bounds = array<i64: 1, 128>}, {pipeline_mode = #tpu.pipeline_mode<synchronous>, transform_indices = @transform_3, window_bounds = array<i64: 1, 128>}, {pipeline_mode = #tpu.pipeline_mode<synchronous>, transform_indices = @transform_4, window_bounds = array<i64: 1, 1>}, {transform_indices = @transform_5, window_bounds = array<i64: 1, 1, 1024>}]} {
    %get3A = arith.constant 0 : index
    %get3A_0 = arith.constant 0 : index
    %get3A_1 = arith.constant 0 : index
    %get3A_2 = vector.load %arg1[%get3A, %get3A_0, %get3A_1] : memref<1x1024x768xbf16, #tpu.memory_space<vmem>>, vector<1x1024x768xbf16>
    %get3A_3 = vector.shape_cast %get3A_2 : vector<1x1024x768xbf16> to vector<1024x768xbf16>
    %get3A_4 = arith.constant 0 : index
    %get3A_5 = arith.constant 0 : index
    %get3A_6 = vector.load %arg2[%get3A_4, %get3A_5] : memref<768x128xbf16, #tpu.memory_space<vmem>>, vector<768x128xbf16>
    %dot_general3A = arith.constant dense<0.000000e+00> : vector<1024x128xf32>
    %dot_general3A_7 = tpu.matmul %get3A_3, %get3A_6, %dot_general3A {dimension_numbers = #tpu.dot_dimension_numbers<[1], [0], [0], [1], [0, 0, 1, 1], [], []>, transpose_lhs_hint = false} : vector<1024x768xbf16>, vector<768x128xbf16>, vector<1024x128xf32> -> vector<1024x128xf32>
    %get3A_8 = arith.constant 0 : index
    %get3A_9 = arith.constant 0 : index
    %get3A_10 = vector.load %arg3[%get3A_8, %get3A_9] : memref<1x128xf32, #tpu.memory_space<vmem>>, vector<1x128xf32>
    %add3A = vector.broadcast %get3A_10 : vector<1x128xf32> to vector<1024x128xf32>
    %add3A_11 = arith.addf %dot_general3A_7, %add3A : vector<1024x128xf32>
    %convert_element_type3A = arith.truncf %add3A_11 : vector<1024x128xf32> to vector<1024x128xbf16>
    %convert_element_type3A_12 = arith.extf %convert_element_type3A : vector<1024x128xbf16> to vector<1024x128xf32>
    %get3A_13 = arith.constant 0 : index
    %get3A_14 = arith.constant 0 : index
    %get3A_15 = vector.load %arg4[%get3A_13, %get3A_14] : memref<1x128xf32, #tpu.memory_space<vmem>>, vector<1x128xf32>
    %mul3A = vector.broadcast %get3A_15 : vector<1x128xf32> to vector<1024x128xf32>
    %mul3A_16 = arith.mulf %convert_element_type3A_12, %mul3A : vector<1024x128xf32>
    %broadcast_in_dim3A = arith.constant 0.000000e+00 : f32
    %broadcast_in_dim3A_17 = vector.broadcast %broadcast_in_dim3A : f32 to vector<1024x128xf32>
    %slice3A = vector.extract_strided_slice %mul3A_16 {offsets = [0, 0], sizes = [1024, 64], strides = [1, 1]} : vector<1024x128xf32> to vector<1024x64xf32>
    %slice3A_18 = vector.extract_strided_slice %mul3A_16 {offsets = [0, 64], sizes = [1024, 64], strides = [1, 1]} : vector<1024x128xf32> to vector<1024x64xf32>
    %slice3A_19 = vector.extract_strided_slice %broadcast_in_dim3A_17 {offsets = [0, 0], sizes = [1024, 64], strides = [1, 1]} : vector<1024x128xf32> to vector<1024x64xf32>
    %slice3A_20 = vector.extract_strided_slice %broadcast_in_dim3A_17 {offsets = [0, 64], sizes = [1024, 64], strides = [1, 1]} : vector<1024x128xf32> to vector<1024x64xf32>
    %add3A_21 = arith.addf %slice3A, %slice3A_18 : vector<1024x64xf32>
    %sub3A = arith.subf %add3A_21, %slice3A : vector<1024x64xf32>
    %sub3A_22 = arith.subf %add3A_21, %sub3A : vector<1024x64xf32>
    %sub3A_23 = arith.subf %slice3A, %sub3A_22 : vector<1024x64xf32>
    %sub3A_24 = arith.subf %slice3A_18, %sub3A : vector<1024x64xf32>
    %add3A_25 = arith.addf %sub3A_23, %sub3A_24 : vector<1024x64xf32>
    %add3A_26 = arith.addf %slice3A_19, %slice3A_20 : vector<1024x64xf32>
    %add3A_27 = arith.addf %add3A_26, %add3A_25 : vector<1024x64xf32>
    %slice3A_28 = vector.extract_strided_slice %add3A_21 {offsets = [0, 0], sizes = [1024, 32], strides = [1, 1]} : vector<1024x64xf32> to vector<1024x32xf32>
    %slice3A_29 = vector.extract_strided_slice %add3A_21 {offsets = [0, 32], sizes = [1024, 32], strides = [1, 1]} : vector<1024x64xf32> to vector<1024x32xf32>
    %slice3A_30 = vector.extract_strided_slice %add3A_27 {offsets = [0, 0], sizes = [1024, 32], strides = [1, 1]} : vector<1024x64xf32> to vector<1024x32xf32>
    %slice3A_31 = vector.extract_strided_slice %add3A_27 {offsets = [0, 32], sizes = [1024, 32], strides = [1, 1]} : vector<1024x64xf32> to vector<1024x32xf32>
    %add3A_32 = arith.addf %slice3A_28, %slice3A_29 : vector<1024x32xf32>
    %sub3A_33 = arith.subf %add3A_32, %slice3A_28 : vector<1024x32xf32>
    %sub3A_34 = arith.subf %add3A_32, %sub3A_33 : vector<1024x32xf32>
    %sub3A_35 = arith.subf %slice3A_28, %sub3A_34 : vector<1024x32xf32>
    %sub3A_36 = arith.subf %slice3A_29, %sub3A_33 : vector<1024x32xf32>
    %add3A_37 = arith.addf %sub3A_35, %sub3A_36 : vector<1024x32xf32>
    %add3A_38 = arith.addf %slice3A_30, %slice3A_31 : vector<1024x32xf32>
    %add3A_39 = arith.addf %add3A_38, %add3A_37 : vector<1024x32xf32>
    %slice3A_40 = vector.extract_strided_slice %add3A_32 {offsets = [0, 0], sizes = [1024, 16], strides = [1, 1]} : vector<1024x32xf32> to vector<1024x16xf32>
    %slice3A_41 = vector.extract_strided_slice %add3A_32 {offsets = [0, 16], sizes = [1024, 16], strides = [1, 1]} : vector<1024x32xf32> to vector<1024x16xf32>
    %slice3A_42 = vector.extract_strided_slice %add3A_39 {offsets = [0, 0], sizes = [1024, 16], strides = [1, 1]} : vector<1024x32xf32> to vector<1024x16xf32>
    %slice3A_43 = vector.extract_strided_slice %add3A_39 {offsets = [0, 16], sizes = [1024, 16], strides = [1, 1]} : vector<1024x32xf32> to vector<1024x16xf32>
    %add3A_44 = arith.addf %slice3A_40, %slice3A_41 : vector<1024x16xf32>
    %sub3A_45 = arith.subf %add3A_44, %slice3A_40 : vector<1024x16xf32>
    %sub3A_46 = arith.subf %add3A_44, %sub3A_45 : vector<1024x16xf32>
    %sub3A_47 = arith.subf %slice3A_40, %sub3A_46 : vector<1024x16xf32>
    %sub3A_48 = arith.subf %slice3A_41, %sub3A_45 : vector<1024x16xf32>
    %add3A_49 = arith.addf %sub3A_47, %sub3A_48 : vector<1024x16xf32>
    %add3A_50 = arith.addf %slice3A_42, %slice3A_43 : vector<1024x16xf32>
    %add3A_51 = arith.addf %add3A_50, %add3A_49 : vector<1024x16xf32>
    %slice3A_52 = vector.extract_strided_slice %add3A_44 {offsets = [0, 0], sizes = [1024, 8], strides = [1, 1]} : vector<1024x16xf32> to vector<1024x8xf32>
    %slice3A_53 = vector.extract_strided_slice %add3A_44 {offsets = [0, 8], sizes = [1024, 8], strides = [1, 1]} : vector<1024x16xf32> to vector<1024x8xf32>
    %slice3A_54 = vector.extract_strided_slice %add3A_51 {offsets = [0, 0], sizes = [1024, 8], strides = [1, 1]} : vector<1024x16xf32> to vector<1024x8xf32>
    %slice3A_55 = vector.extract_strided_slice %add3A_51 {offsets = [0, 8], sizes = [1024, 8], strides = [1, 1]} : vector<1024x16xf32> to vector<1024x8xf32>
    %add3A_56 = arith.addf %slice3A_52, %slice3A_53 : vector<1024x8xf32>
    %sub3A_57 = arith.subf %add3A_56, %slice3A_52 : vector<1024x8xf32>
    %sub3A_58 = arith.subf %add3A_56, %sub3A_57 : vector<1024x8xf32>
    %sub3A_59 = arith.subf %slice3A_52, %sub3A_58 : vector<1024x8xf32>
    %sub3A_60 = arith.subf %slice3A_53, %sub3A_57 : vector<1024x8xf32>
    %add3A_61 = arith.addf %sub3A_59, %sub3A_60 : vector<1024x8xf32>
    %add3A_62 = arith.addf %slice3A_54, %slice3A_55 : vector<1024x8xf32>
    %add3A_63 = arith.addf %add3A_62, %add3A_61 : vector<1024x8xf32>
    %slice3A_64 = vector.extract_strided_slice %add3A_56 {offsets = [0, 0], sizes = [1024, 4], strides = [1, 1]} : vector<1024x8xf32> to vector<1024x4xf32>
    %slice3A_65 = vector.extract_strided_slice %add3A_56 {offsets = [0, 4], sizes = [1024, 4], strides = [1, 1]} : vector<1024x8xf32> to vector<1024x4xf32>
    %slice3A_66 = vector.extract_strided_slice %add3A_63 {offsets = [0, 0], sizes = [1024, 4], strides = [1, 1]} : vector<1024x8xf32> to vector<1024x4xf32>
    %slice3A_67 = vector.extract_strided_slice %add3A_63 {offsets = [0, 4], sizes = [1024, 4], strides = [1, 1]} : vector<1024x8xf32> to vector<1024x4xf32>
    %add3A_68 = arith.addf %slice3A_64, %slice3A_65 : vector<1024x4xf32>
    %sub3A_69 = arith.subf %add3A_68, %slice3A_64 : vector<1024x4xf32>
    %sub3A_70 = arith.subf %add3A_68, %sub3A_69 : vector<1024x4xf32>
    %sub3A_71 = arith.subf %slice3A_64, %sub3A_70 : vector<1024x4xf32>
    %sub3A_72 = arith.subf %slice3A_65, %sub3A_69 : vector<1024x4xf32>
    %add3A_73 = arith.addf %sub3A_71, %sub3A_72 : vector<1024x4xf32>
    %add3A_74 = arith.addf %slice3A_66, %slice3A_67 : vector<1024x4xf32>
    %add3A_75 = arith.addf %add3A_74, %add3A_73 : vector<1024x4xf32>
    %slice3A_76 = vector.extract_strided_slice %add3A_68 {offsets = [0, 0], sizes = [1024, 2], strides = [1, 1]} : vector<1024x4xf32> to vector<1024x2xf32>
    %slice3A_77 = vector.extract_strided_slice %add3A_68 {offsets = [0, 2], sizes = [1024, 2], strides = [1, 1]} : vector<1024x4xf32> to vector<1024x2xf32>
    %slice3A_78 = vector.extract_strided_slice %add3A_75 {offsets = [0, 0], sizes = [1024, 2], strides = [1, 1]} : vector<1024x4xf32> to vector<1024x2xf32>
    %slice3A_79 = vector.extract_strided_slice %add3A_75 {offsets = [0, 2], sizes = [1024, 2], strides = [1, 1]} : vector<1024x4xf32> to vector<1024x2xf32>
    %add3A_80 = arith.addf %slice3A_76, %slice3A_77 : vector<1024x2xf32>
    %sub3A_81 = arith.subf %add3A_80, %slice3A_76 : vector<1024x2xf32>
    %sub3A_82 = arith.subf %add3A_80, %sub3A_81 : vector<1024x2xf32>
    %sub3A_83 = arith.subf %slice3A_76, %sub3A_82 : vector<1024x2xf32>
    %sub3A_84 = arith.subf %slice3A_77, %sub3A_81 : vector<1024x2xf32>
    %add3A_85 = arith.addf %sub3A_83, %sub3A_84 : vector<1024x2xf32>
    %add3A_86 = arith.addf %slice3A_78, %slice3A_79 : vector<1024x2xf32>
    %add3A_87 = arith.addf %add3A_86, %add3A_85 : vector<1024x2xf32>
    %slice3A_88 = vector.extract_strided_slice %add3A_80 {offsets = [0, 0], sizes = [1024, 1], strides = [1, 1]} : vector<1024x2xf32> to vector<1024x1xf32>
    %slice3A_89 = vector.extract_strided_slice %add3A_80 {offsets = [0, 1], sizes = [1024, 1], strides = [1, 1]} : vector<1024x2xf32> to vector<1024x1xf32>
    %slice3A_90 = vector.extract_strided_slice %add3A_87 {offsets = [0, 0], sizes = [1024, 1], strides = [1, 1]} : vector<1024x2xf32> to vector<1024x1xf32>
    %slice3A_91 = vector.extract_strided_slice %add3A_87 {offsets = [0, 1], sizes = [1024, 1], strides = [1, 1]} : vector<1024x2xf32> to vector<1024x1xf32>
    %add3A_92 = arith.addf %slice3A_88, %slice3A_89 : vector<1024x1xf32>
    %sub3A_93 = arith.subf %add3A_92, %slice3A_88 : vector<1024x1xf32>
    %sub3A_94 = arith.subf %add3A_92, %sub3A_93 : vector<1024x1xf32>
    %sub3A_95 = arith.subf %slice3A_88, %sub3A_94 : vector<1024x1xf32>
    %sub3A_96 = arith.subf %slice3A_89, %sub3A_93 : vector<1024x1xf32>
    %add3A_97 = arith.addf %sub3A_95, %sub3A_96 : vector<1024x1xf32>
    %add3A_98 = arith.addf %slice3A_90, %slice3A_91 : vector<1024x1xf32>
    %add3A_99 = arith.addf %add3A_98, %add3A_97 : vector<1024x1xf32>
    %add3A_100 = arith.addf %add3A_92, %add3A_99 : vector<1024x1xf32>
    %get3A_101 = arith.constant 0 : index
    %get3A_102 = arith.constant 0 : index
    %get3A_103 = vector.load %arg5[%get3A_101, %get3A_102] : memref<1x1xf32, #tpu.memory_space<vmem>>, vector<1x1xf32>
    %add3A_104 = vector.broadcast %get3A_103 : vector<1x1xf32> to vector<1024x1xf32>
    %add3A_105 = arith.addf %add3A_100, %add3A_104 : vector<1024x1xf32>
    %iota3A = tpu.iota {dimensions = array<i32: 0>} : vector<1024x1024xi32>
    %iota3A_106 = tpu.iota {dimensions = array<i32: 1>} : vector<1024x1024xi32>
    %eq3A = arith.cmpi eq, %iota3A, %iota3A_106 : vector<1024x1024xi32>
    %convert_element_type3A_107 = arith.extui %eq3A : vector<1024x1024xi1> to vector<1024x1024xi32>
    %convert_element_type3A_108 = arith.sitofp %convert_element_type3A_107 : vector<1024x1024xi32> to vector<1024x1024xf32>
    %dot_general3A_109 = arith.constant dense<0.000000e+00> : vector<1x1024xf32>
    %dot_general3A_110 = tpu.matmul %add3A_105, %convert_element_type3A_108, %dot_general3A_109 {dimension_numbers = #tpu.dot_dimension_numbers<[0], [0], [1], [1], [0, 1, 1, 1], [], []>, precision = #tpu.contract_precision<fp32>, transpose_lhs_hint = false} : vector<1024x1xf32>, vector<1024x1024xf32>, vector<1x1024xf32> -> vector<1x1024xf32>
    %swap3A = arith.constant 0 : index
    %swap3A_111 = arith.constant 0 : index
    %swap3A_112 = arith.constant 0 : index
    %swap3A_113 = vector.load %arg6[%swap3A, %swap3A_111, %swap3A_112] : memref<1x1x1024xf32, #tpu.memory_space<vmem>>, vector<1x1x1024xf32>
    %swap3A_114 = vector.shape_cast %swap3A_113 : vector<1x1x1024xf32> to vector<1x1024xf32>
    %swap3A_115 = vector.shape_cast %dot_general3A_110 : vector<1x1024xf32> to vector<1x1x1024xf32>
    tpu.vector_store %arg6[%swap3A, %swap3A_111, %swap3A_112], %swap3A_115 {strides = array<i32>} : memref<1x1x1024xf32, #tpu.memory_space<vmem>>, vector<1x1x1024xf32>,
    return
  }
  func.func @transform_0(%arg0: i32) -> (i32, i32, i32) {
    %c0_i32 = arith.constant 0 : i32
    %c0_i32_0 = arith.constant 0 : i32
    %c0_i32_1 = arith.constant 0 : i32
    return %arg0, %c0_i32, %c0_i32_0 : i32, i32, i32
  }
  func.func @transform_1(%arg0: i32) -> (i32, i32) {
    %c0_i32 = arith.constant 0 : i32
    %c0_i32_0 = arith.constant 0 : i32
    %c0_i32_1 = arith.constant 0 : i32
    return %c0_i32, %c0_i32_0 : i32, i32
  }
  func.func @transform_2(%arg0: i32) -> (i32, i32) {
    %c0_i32 = arith.constant 0 : i32
    %c0_i32_0 = arith.constant 0 : i32
    %c0_i32_1 = arith.constant 0 : i32
    return %c0_i32, %c0_i32_0 : i32, i32
  }
  func.func @transform_3(%arg0: i32) -> (i32, i32) {
    %c0_i32 = arith.constant 0 : i32
    %c0_i32_0 = arith.constant 0 : i32
    %c0_i32_1 = arith.constant 0 : i32
    return %c0_i32, %c0_i32_0 : i32, i32
  }
  func.func @transform_4(%arg0: i32) -> (i32, i32) {
    %c0_i32 = arith.constant 0 : i32
    %c0_i32_0 = arith.constant 0 : i32
    %c0_i32_1 = arith.constant 0 : i32
    return %c0_i32, %c0_i32_0 : i32, i32
  }
  func.func @transform_5(%arg0: i32) -> (i32, i32, i32) {
    %c0_i32 = arith.constant 0 : i32
    %c0_i32_0 = arith.constant 0 : i32
    %c0_i32_1 = arith.constant 0 : i32
    return %arg0, %c0_i32, %c0_i32_0 : i32, i32, i32
  }
}

</mosaic_0001>

<sc_bundles>
// kernel: sparse-core-data-format-call.cloned.1.call-start
scs
called_computation_lowered:
.L_overlay_start_0:
0x0: {  	s1 =	sld [smem:$0x3FD9]  }
0x1: {  	s2 =	sld [smem:$0x3FFE];
	_ =	sdelay $0x1  }
0x2: {  	s3 =	srdreg.scid  }
0x3: {  	s0 =	sand.u32 $0x1, s3  }
0x4: {  	s17 =	sshll.u32 s0, $0xA;
	s1 =	sadd.s32 s2, s1  }
0x5: {  	s1 =	sadd.s32 s1, s17  }
0x6: {  	[smem:$0x3FC3] =	sst s1  }
0x7: {  	_ = 	snop  }
0x8: {  	(tm) =	ssettm $0x1  }
0x9: {  	s18 =	sld [smem:$0x3FFB];
	_ =	sdelay $0x3  }
0xa: {  	_ =	strace s18  }
0xb: {  	s1 =	sld [smem:$0x3FFC];
	_ =	sdelay $0x3  }
0xc: {  	_ =	strace s1  }
0xd: {  	s1 =	sld [smem:$0x3FFD];
	_ =	sdelay $0x3  }
0xe: {  	_ =	strace s1  }
0xf: {  	_ =	strace $0x8FFFFFFF  }
0x10: {  	s19 =	sld [smem:$0x3FDB];
	_ =	sdelay $0x1  }
0x11: {  	s20 =	simm.s32 $_scs_section_size  }
0x12: {  	s4 =	simm.s32 $_size__tile_overlayer_lowered;
	s5 =	simm.s32 $_tile_overlayer_lowered  }
0x13: {  	s23 =	simm.s32 $0x1BFF;
	s22 =	sshll.u32 s5, $0x1;
	s1 =	sadd.s32 s20, s19  }
0x14: {  	s6 =	simm.s32 $0x0;
	s21 =	sshll.u32 s4, $0x1;
	s4 =	sadd.s32 s22, s1  }
0x15: {  	[timem:s6], [sflag:s23] =	dma.local [hbm:s4], s21  }
0x16: {  	_ =	swait.ge [sflag:s23], s21  }
0x17: {  	s2 =	ssub.s32 $0x0, s21;
	[sflag:s23] =	ssyncset.done $0x0  }
0x18: {  	[sflag:s23] =	ssyncadd.s32 s2;
	_ =	sdelay $0x1  }
0x19: {  	s24 =	simm.s32 $0x1B8B  }
0x1a: {  	_ =	swait.ge [sflag:s24], $0x1  }
0x1b: {  	[sflag:s24] =	ssyncset.done $0x0  }
0x1c: {  	s26 =	simm.s32 $0x1B8E;
	s25 =	sld [smem:$0x3FFE];
	[sflag:s24] =	ssyncadd.s32 $0xFFFFFFFF  }
0x1d: {  	s27 =	simm.s32 $execute0_lowered;
	[smem:$0x3FD2] =	sst s26  }
0x1e: {  	s4 =	sshll.u32 s27, $0x1;
	_ =	strace $0x80000046;
	[dreg:$0x1] =	wrdreg $0xFFFFFFFF  }
0x1f: {  	s28 =	simm.s32 $_size_execute0_lowered;
	s1 =	sadd.s32 s1, s4;
	[dreg:$0x0] =	wrdreg $0x0  }
0x20: {  	s4 =	sshll.u32 s28, $0x1;
	[dreg:$0x2] =	wrdreg s1  }
0x21: {  	[dreg:$0x3] =	wrdreg s4  }
0x22: {  	[dreg:$0x4] =	wrdreg $0xC0  }
0x23: {  	_ =	task [dreg:s6], $0x5FFFF  }
0x24: {  	[dreg:$0x1] =	wrdreg $0xFFFFFFFF  }
0x25: {  	[dreg:$0x0] =	wrdreg $0x60  }
0x26: {  	[dreg:$0x2] =	wrdreg s25  }
0x27: {  	[dreg:$0x3] =	wrdreg $0x9  }
0x28: {  	_ =	task.clear_ibuf [dreg:s6], $0x4FFFF;
	_ =	strace $0x90000046  }
0x29: {  	s29 =	simm.s32 $0x9;
	_ =	strace $0x80000048  }
0x2a: {  	_ =	swait.ge [sflag:s29], $0x1  }
0x2b: {  	[sflag:s29] =	ssyncadd.s32 $0xFFFFFFFF  }
0x2c: {  	_ =	strace $0x90000048  }
0x2d: {  	_ =	sfence  }
0x2e: {  	s30 =	sld [smem:$0x0];
	_ =	sdelay $0x2  }
0x2f: {  	s31 =	sshll.u32 s3, $0xD;
	s3 =	sshrl.u32 s3, $0x2  }
0x30: {  	s2 =	sand.u32 $0x4000, s31;
	s1 =	sadd.s32 s3, s30  }
0x31: {  	s0 =	sor.u32 s2, s0;
	s1 =	sshll.u32 s1, $0x11  }
0x32: {  	s0 =	sor.u32 s1, s0  }
0x33: {  	s0 =	sadd.s32 $0x8F2B, s0  }
0x34: {  	[sflag:s0] =	ssyncadd.remote.s32 $0x1  }
0x35: {  	_ =	sfence.sel $0xFFFF  }
0x36: {  	[dreg:$0x0] =	wrdreg $0xFFFFFFFF;
	(pc) =	sbr.abs _section_cstart, $3  }
0x37: {  	[dreg:$0x1] =	wrdreg $0xFFFFFFFF  }
0x38: {  	_ =	task.clear_ibuf [dreg:s6], $0x2FFFF;
	_ =	strace $0x9FFFFFFF  }
0x39: {  	(tm) =	ssettm $0x7FFFFFFF  }
tec
execute0_lowered:
.L_overlay_start_1:
0x0: {  	(tag) =	ssettag $0x1  }
0x1: {  	s0 =	rddreg [dreg:$0x0];
	s5 =	stileid.u32;
	_ =	strace $0x80000047  }
0x2: {  	s3 =	srdreg.scid;
	s7 =	simm.s32 $0x2;
	s16 =	simm.s32 $0x40  }
0x3: {  	s17 =	simm.s32 $0x400;
	s19 =	simm.s32 $0x0;
	s27 =	simm.s32 $0x0  }
0x4: {  	s28 =	simm.s32 $0x0;
	s29 =	simm.s32 $0x0;
	s30 =	simm.s32 $0x0  }
0x5: {  	s20 =	simm.s32 $0x0;
	s21 =	simm.s32 $0x0;
	s1 =	sshll.u32 s5, $0x3  }
0x6: {  	s22 =	sadd.s32 $0xA00, s0;
	s23 =	sshll.u32 s3, $0x4;
	s4 =	sadd.s32 $0x600A00, s0  }
0x7: {  	s26 =	sadd.s32 $0x10A00, s0;
	s31 =	sadd.s32 $0x20A00, s0;
	s10 =	sadd.s32 $0x30A00, s0  }
0x8: {  	s11 =	sadd.s32 $0x40A00, s0;
	s12 =	sadd.s32 $0x50A00, s0;
	s13 =	sadd.s32 $0x60A00, s0  }
0x9: {  	s14 =	sadd.s32 $0x70A00, s0;
	s2 =	sand.u32 $0x18, s1;
	[dreg:$0x2] =	wrdreg s22  }
0xa: {  	[dreg:$0x3] =	wrdreg s4;
	s1 =	sand.u32 $0x10, s23;
	s24 =	ssub.s32 $0x20, s2  }
0xb: {  	s4 =	simm.s32 $0x1;
	[dreg:$0x4] =	wrdreg s26;
	s25 =	sand.u32 $0x18, s24  }
0xc: {  	s1 =	sor.u32 s5, s1;
	s5 =	simm.s32 $0x1;
	p0 =	sne.s32 s25, $0x0  }
.Ltmp0:
0xd: {  	s3 =	sshrl.u32 s24, $0x5;
	s4 =	simm.s32 @!p0 $0x0;
	(pc) =	sbr.rel .LBB1_1-.Ltmp0, $4  }
0xe: {  	[dreg:$0x5] =	wrdreg s31;
	[sflag:s5] =	ssyncpa.u1 $0x0;
	s3 =	sadd.s32 s4, s3  }
0xf: {  	s26 =	simm.s32 $0x0;
	[sflag:s7] =	ssyncpa.u1 $0x0;
	s7 =	smul.u32 $0x30, s3  }
0x10: {  	s23 =	smov.u32 s2;
	s6 =	sshrl.u32 s1, $0x2;
	s24 =	simm.s32 $0x0  }
0x11: {  	s22 =	smov.u32 s6;
	s25 =	simm.s32 $0x0;
	s15 =	sor.u32 $0x1, s7  }
.LBB1_9:
0x12: {  	s0 =	sadd.s32 $0x2, s20  }
0x13: {  	s1 =	sadd.s32 $0x20, s21;
	s3 =	smov.u32 s21;
	p1 =	sgt.s32 s0, $0xF  }
0x14: {  	s3 =	smov.u32 @p1 s1  }
0x15: {  	s4 =	smov.u32 s22;
	s1 =	sadd.s32 $0x8, s22;
	p2 =	sgt.s32 s3, $0x1F  }
0x16: {  	s4 =	smov.u32 @p2 s1  }
0x17: {  	s8 =	smov.u32 s23;
	s1 =	sadd.s32 $0x20, s23;
	p3 =	sgt.s32 s4, $0xF  }
0x18: {  	s8 =	smov.u32 @p3 s1  }
0x19: {  	s0 =	simm.s32 @p1 $0x0;
	s1 =	simm.s32 $0x1;
	p1 =	sgt.s32 s8, $0x1F  }
0x1a: {  	p0 =	slt.u32 s25, $0x2;
	s1 =	simm.s32 @!p1 $0x0  }
0x1b: {  	s26 =	smov.u32 s20;
	s27 =	smov.u32 s21;
	s1 =	sadd.s32 s1, s24  }
0x1c: {  	s28 =	smov.u32 s22;
	s8 =	smov.u32 @p1 s2;
	p1 =	sgt.s32 s1, $0x2  }
0x1d: {  	s9 =	simm.s32 @!p0 $0x2;
	s1 =	simm.s32 @p1 $0x0;
	p1 =	sne.s32 s25, s15  }
.Ltmp1:
0x1e: {  	s29 =	smov.u32 s23;
	_ =	swait.ge @!p0 [sflag:s9], $0x4000;
	(pc) =	sbr.rel @!p1 .LBB1_10-.Ltmp1, $4  }
0x1f: {  	s30 =	smov.u32 s24;
	s19 =	sadd.s32 $0x8000, s19;
	[sflag:s9] =	ssyncset.done @!p0 $0x0  }
0x20: {  	s20 =	smov.u32 s0;
	s3 =	simm.s32 @p2 $0x0;
	s4 =	smov.u32 @p3 s6  }
0x21: {  	[sflag:s9] =	ssyncadd.s32 @!p0 $0xFFFFC000;
	s21 =	smov.u32 s3;
	s22 =	smov.u32 s4  }
0x22: {  	s23 =	smov.u32 s8;
	s25 =	sadd.s32 $0x1, s25;
	s24 =	smov.u32 s1  }
.LBB1_1:
0x23: {  	p0 =	sge.u32 s25, s7  }
.Ltmp2:
0x24: {  	_ = 	snop;
	(pc) =	sbr.rel @p0 .LBB1_3-.Ltmp2, $1  }
0x25: {  	_ =	sdelay $0x3  }
0x26: {  	s0 =	sshll.u32 s24, $0x15;
	s1 =	sshll.u32 s23, $0x10  }
0x27: {  	s8 =	rddreg [dreg:$0x2];
	s3 =	sadd.s32 s0, s1  }
0x28: {  	s4 =	sxor.u32 $0xFFFFFFFF, s25;
	s18 =	sshll.u32 s22, $0xC;
	s3 =	sadd.s32 s8, s3  }
0x29: {  	s31 =	sshll.u32 s21, $0x7;
	s9 =	sshll.u32 s20, $0x3;
	s3 =	sadd.s32 s18, s3  }
0x2a: {  	s4 =	sshll.u32 s4, $0xE;
	s8 =	sand.u32 $0x70, s9;
	s3 =	sadd.s32 s31, s3  }
0x2b: {  	s4 =	sand.u32 $0x4000, s4;
	s9 =	rddreg [dreg:$0x4];
	s3 =	sadd.s32 s8, s3  }
0x2c: {  	[tilespmem:s4], [sflag:$0x1] =	stream.strided.gather [hbm4b:s3+s16], $0x800, s17, s16, $0x38;
	[tilespmem:$0x10000] =	vst v63  }
0x2d: {  	s3 =	sadd.s32 s0, s9  }
0x2e: {  	s3 =	sadd.s32 s1, s3  }
0x2f: {  	s3 =	sadd.s32 s18, s3  }
0x30: {  	s3 =	sadd.s32 s31, s3  }
0x31: {  	s9 =	sor.u32 $0x800, s4;
	s3 =	sadd.s32 s8, s3  }
0x32: {  	[tilespmem:s9], [sflag:$0x1] =	stream.strided.gather [hbm4b:s3+s16], $0x800, s17, s16, $0x38;
	[tilespmem:$0x10000] =	vst v63  }
0x33: {  	s9 =	rddreg [dreg:$0x5]  }
0x34: {  	s3 =	sadd.s32 s0, s9  }
0x35: {  	s3 =	sadd.s32 s1, s3  }
0x36: {  	s3 =	sadd.s32 s18, s3  }
0x37: {  	s3 =	sadd.s32 s31, s3  }
0x38: {  	s9 =	sor.u32 $0x1000, s4;
	s3 =	sadd.s32 s8, s3  }
0x39: {  	[tilespmem:s9], [sflag:$0x1] =	stream.strided.gather [hbm4b:s3+s16], $0x800, s17, s16, $0x38;
	[tilespmem:$0x10000] =	vst v63  }
0x3a: {  	s9 =	sadd.s32 s0, s10  }
0x3b: {  	s3 =	sadd.s32 s1, s9  }
0x3c: {  	s3 =	sadd.s32 s18, s3  }
0x3d: {  	s3 =	sadd.s32 s31, s3  }
0x3e: {  	s9 =	sor.u32 $0x1800, s4;
	s3 =	sadd.s32 s8, s3  }
0x3f: {  	[tilespmem:s9], [sflag:$0x1] =	stream.strided.gather [hbm4b:s3+s16], $0x800, s17, s16, $0x38;
	[tilespmem:$0x10000] =	vst v63  }
0x40: {  	s9 =	sadd.s32 s0, s11  }
0x41: {  	s3 =	sadd.s32 s1, s9  }
0x42: {  	s3 =	sadd.s32 s18, s3  }
0x43: {  	s3 =	sadd.s32 s31, s3  }
0x44: {  	s9 =	sor.u32 $0x2000, s4;
	s3 =	sadd.s32 s8, s3  }
0x45: {  	[tilespmem:s9], [sflag:$0x1] =	stream.strided.gather [hbm4b:s3+s16], $0x800, s17, s16, $0x38;
	[tilespmem:$0x10000] =	vst v63  }
0x46: {  	s9 =	sadd.s32 s0, s12  }
0x47: {  	s3 =	sadd.s32 s1, s9  }
0x48: {  	s3 =	sadd.s32 s18, s3  }
0x49: {  	s3 =	sadd.s32 s31, s3  }
0x4a: {  	s9 =	sor.u32 $0x2800, s4;
	s3 =	sadd.s32 s8, s3  }
0x4b: {  	[tilespmem:s9], [sflag:$0x1] =	stream.strided.gather [hbm4b:s3+s16], $0x800, s17, s16, $0x38;
	[tilespmem:$0x10000] =	vst v63  }
0x4c: {  	s9 =	sadd.s32 s0, s13  }
0x4d: {  	s0 =	sadd.s32 s0, s14;
	s3 =	sadd.s32 s1, s9  }
0x4e: {  	s0 =	sadd.s32 s1, s0;
	s3 =	sadd.s32 s18, s3  }
0x4f: {  	s0 =	sadd.s32 s18, s0;
	s3 =	sadd.s32 s31, s3  }
0x50: {  	s9 =	sor.u32 $0x3000, s4;
	s0 =	sadd.s32 s31, s0;
	s3 =	sadd.s32 s8, s3  }
0x51: {  	[tilespmem:s9], [sflag:$0x1] =	stream.strided.gather [hbm4b:s3+s16], $0x800, s17, s16, $0x38;
	[tilespmem:$0x10000] =	vst v63  }
0x52: {  	s31 =	sor.u32 $0x3800, s4;
	s0 =	sadd.s32 s8, s0  }
0x53: {  	[tilespmem:s31], [sflag:$0x1] =	stream.strided.gather [hbm4b:s0+s16], $0x800, s17, s16, $0x38;
	[tilespmem:$0x10000] =	vst v63  }
.LBB1_3:
0x54: {  	s0 =	sadd.s32 $0xFFFFFFFF, s25  }
0x55: {  	p0 =	sge.u32 s0, s7  }
.Ltmp3:
0x56: {  	_ = 	snop;
	(pc) =	sbr.rel @p0 .LBB1_9-.Ltmp3, $1  }
0x57: {  	_ =	sdelay $0x3  }
0x58: {  	s0 =	sshrl.u32 s19, $0x1;
	_ =	swait.ge [sflag:s5], $0x4000  }
0x59: {  	s3 =	sshll.u32 s25, $0xE;
	s18 =	simm.s32 $0x0;
	s1 =	sand.u32 $0x4000, s0  }
0x5a: {  	[sflag:s5] =	ssyncset.done $0x0;
	s3 =	sand.u32 $0x4000, s3;
	s0 =	sor.u32 $0x30, s1  }
0x5b: {  	s1 =	sor.u32 $0x8000, s1;
	[sflag:s5] =	ssyncadd.s32 $0xFFFFC000;
	s31 =	sor.u32 $0x8000, s3  }
.LBB1_5:
0x5c: {  	v1 =	vmov s0;
	_ =	sdelay $0x3  }
0x5d: {  	s3 =	simm.s32 $0x0  }
0x5e: {  	v3 =	vld.idx.msk [tilespmem:v1+s3+$0x0 ss:$0x1], $0xffff  }
0x5f: {  	v0 =	vmov s1;
	v4 =	vld.idx.msk [tilespmem:v1+s3+$0xFFFFFFD0 ss:$0x1], $0xffff  }
0x60: {  	v2 =	vld.idx.msk [tilespmem:v1+s3+$0xFFFFFFE0 ss:$0x1], $0xffff  }
0x61: {  	s4 =	simm.s32 $0x100;
	v5 =	vld.idx.msk [tilespmem:v1+s3+$0xFFFFFFF0 ss:$0x1], $0xffff  }
.LBB1_6:
0x62: {  	p0 =	sne.s32 s4, $0x1F00  }
.Ltmp4:
0x63: {  	s8 =	sshra.s32 s4, $0x2;
	s4 =	sadd.s32 $0x100, s4;
	(pc) =	sbr.rel @p0 .LBB1_6-.Ltmp4, $4  }
0x64: {  	[tilespmem:v0+s3+$0x30 ss:$0x1] =	vst.idx.msk $0xffff, v3;
	v3 =	vld.idx.msk [tilespmem:v1+s8+$0x0 ss:$0x1], $0xffff  }
0x65: {  	[tilespmem:v0+s3+$0x0 ss:$0x1] =	vst.idx.msk $0xffff, v4;
	v4 =	vld.idx.msk [tilespmem:v1+s8+$0xFFFFFFD0 ss:$0x1], $0xffff  }
0x66: {  	[tilespmem:v0+s3+$0x10 ss:$0x1] =	vst.idx.msk $0xffff, v2;
	v2 =	vld.idx.msk [tilespmem:v1+s8+$0xFFFFFFE0 ss:$0x1], $0xffff  }
0x67: {  	[tilespmem:v0+s3+$0x20 ss:$0x1] =	vst.idx.msk $0xffff, v5;
	v5 =	vld.idx.msk [tilespmem:v1+s8+$0xFFFFFFF0 ss:$0x1], $0xffff;
	s3 =	smov.u32 s8  }
0x68: {  	_ = 	snop  }
0x69: {  	s18 =	sadd.s32 $0x1, s18  }
0x6a: {  	p0 =	sne.s32 s18, $0x8  }
.Ltmp5:
0x6b: {  	_ = 	snop;
	(pc) =	sbr.rel @p0 .LBB1_5-.Ltmp5, $4  }
0x6c: {  	[tilespmem:v0+s3+$0x30 ss:$0x1] =	vst.idx.msk $0xffff, v3  }
0x6d: {  	[tilespmem:v0+s3+$0x0 ss:$0x1] =	vst.idx.msk $0xffff, v4  }
0x6e: {  	[tilespmem:v0+s3+$0x10 ss:$0x1] =	vst.idx.msk $0xffff, v2  }
0x6f: {  	s0 =	sadd.s32 $0x800, s0;
	s1 =	sadd.s32 $0x800, s1;
	[tilespmem:v0+s3+$0x20 ss:$0x1] =	vst.idx.msk $0xffff, v5  }
0x70: {  	s0 =	smul.u32 $0x30000, s29;
	s1 =	sshll.u32 s30, $0xB;
	s3 =	rddreg [dreg:$0x3]  }
0x71: {  	s27 =	smul.u32 $0x1800, s27;
	s1 =	sadd.s32 s3, s1  }
.Ltmp6:
0x72: {  	s4 =	sshll.u32 s28, $0x7;
	s0 =	sadd.s32 s0, s1;
	(pc) =	sbr.rel .LBB1_9-.Ltmp6, $4  }
0x73: {  	s29 =	sshll.u32 s26, $0x3;
	s0 =	sadd.s32 s4, s0  }
0x74: {  	s1 =	sand.u32 $0x70, s29;
	s0 =	sadd.s32 s27, s0  }
0x75: {  	s30 =	simm.s32 $0xC000;
	s0 =	sadd.s32 s1, s0  }
0x76: {  	[hbm4b:s0+s16] =	stream.strided.scatter [tilespmem:s31], [sflag:$0x2], $0x4000, s30, s16, $0x38;
	[tilespmem:$0x10000] =	vst v63  }
.LBB1_10:
0x77: {  	_ =	sfence.sel $0x180000  }
0x78: {  	s0 =	simm.s32 $0x1;
	[bflag:$0x0] =	sbarrier.arrive $0xFFFF  }
0x79: {  	s30 =	simm.s32 $0x2;
	[sflag:s0] =	ssyncpa.u1 $0x1  }
0x7a: {  	[sflag:s30] =	ssyncpa.u1 $0x1  }
0x7b: {  	_ =	strace $0x90000047  }
0x7c: {  	s31 =	stileid.u32;
	[bflag:$0x2] =	sbarrier.arrive $0xFFFF  }
0x7d: {  	p0 =	sne.s32 s31, $0x0;
	s0 =	rddreg [dreg:$0x1]  }
0x7e: {  	s0 =	sadd.s32 @!p0 $0x100000, s0  }
0x7f: {  	[sflag:s0] =	ssyncadd.tile.s32 @!p0 $0x1;
	_ =	shalt  }
.Lfunc_end1:
_tile_overlayer_lowered:
.L_overlay_start_2:
0x80: {  	(tag) =	ssettag $0x2  }
0x81: {  	s0 =	rddreg [dreg:$0x0];
	s2 =	stileid.u32  }
0x82: {  	s1 =	rddreg [dreg:$0x1];
	p0 =	sne.s32 s2, $0x0  }
0x83: {  	s3 =	rddreg [dreg:$0x2];
	[bflag:$0x3] =	sbarrier.arrive $0xFFFF;
	s2 =	simm.s32 @!p0 $0x1C01  }
0x84: {  	[timem:s3], [sflag:s2] =	dma.local @!p0 [hbm:s0], s1  }
0x85: {  	s0 =	simm.s32 @!p0 $0x1  }
0x86: {  	_ =	swait.ge @!p0 [sflag:s0], s1  }
0x87: {  	s1 =	ssub.s32 @!p0 $0x0, s1;
	[sflag:s0] =	ssyncset.done @!p0 $0x0  }
0x88: {  	[sflag:s0] =	ssyncadd.s32 @!p0 s1  }
0x89: {  	[bflag:$0x3] =	sbarrier.arrive $0xFFFF  }
0x8a: {  	_ =	shalt  }

</sc_bundles>
